<compile_context>
chip_gen: v7x
topology: tpu7x:2x2x1
jax: 0.10.2.dev20260603
libtpu: 0.0.44.dev20260713+nightly
codegen_flags: <defaults>
</compile_context>

<pallas_src>
import functools

import jax
import jax.numpy as jnp
from jax import lax
from jax.experimental import pallas as pl
from jax.experimental.pallas import tpu as pltpu
from jax.experimental.pallas import tpu_sc as plsc

_NF = 26
_VR = 100001
_DE = 32


def _gather_kernel(R, D, n_workers):
    rows_per_w = R // n_workers
    C = _NF * 64
    n_chunks = rows_per_w // C
    assert rows_per_w % C == 0
    G = C // 16

    mesh = plsc.VectorSubcoreMesh(core_axis_name="c", subcore_axis_name="s")

    @functools.partial(
        pl.kernel,
        mesh=mesh,
        out_type=jax.ShapeDtypeStruct((R, D), jnp.float32),
        compiler_params=pltpu.CompilerParams(use_tc_tiling_on_sc=False),
        scratch_types=[
            pltpu.VMEM((C,), jnp.int32),
            pltpu.VMEM((C,), jnp.int32),
            pltpu.VMEM((C, D), jnp.float32),
            pltpu.SemaphoreType.DMA,
        ],
    )
    def body(tab_hbm, idx_hbm, out_hbm, off_v, idx_v, rows_v, sem):
        nc = lax.axis_size("c")
        wid = lax.axis_index("s") * nc + lax.axis_index("c")
        base = wid * rows_per_w

        lane = lax.iota(jnp.int32, 16)

        def mk_off(g, carry):
            sl = pl.ds(g * 16, 16)
            off_v[sl] = ((g * 16 + lane) % _NF) * _VR
            return carry

        lax.fori_loop(0, G, mk_off, 0)

        def chunk(k, carry):
            cbase = base + k * C
            pltpu.sync_copy(idx_hbm.at[pl.ds(cbase, C)], idx_v)

            def add_off(g, c2):
                sl = pl.ds(g * 16, 16)
                idx_v[sl] = idx_v[sl] + off_v[sl]
                return c2

            lax.fori_loop(0, G, add_off, 0)
            pltpu.async_copy(tab_hbm.at[idx_v], rows_v, sem).wait()
            pltpu.sync_copy(rows_v, out_hbm.at[pl.ds(cbase, C)])
            return carry

        lax.fori_loop(0, n_chunks, chunk, 0)

    return body


def kernel(x, tables):
    B, F = x.shape
    Ft, V, D = tables.shape
    R = B * F
    tab_flat = tables.reshape(Ft * V, D)
    idx_flat = x.astype(jnp.int32).reshape(R)
    out_flat = _gather_kernel(R, D, 32)(tab_flat, idx_flat)
    return out_flat.reshape(B, F, D)

# --- scband reference (transcript-rebuilt; emitter-appended) ---
"""Pipeline reference for scband-categorical-embeddings1d-11828339933486 (READ-ONLY COPY).

The authoritative reference and input builder live on the scoring server;
editing this copy changes nothing except your own understanding.
"""

import jax, jax.numpy as jnp
import numpy as np
import math

N_FIELDS = 26
CARD = 100000
D_EMB = 32
BATCH = 16384

def setup_inputs(seed: int = 0) -> dict:
    key = jax.random.key(seed)
    x = jax.random.randint(jax.random.fold_in(key, 1), (BATCH, N_FIELDS), 0, CARD, dtype=jnp.int64 if jax.config.jax_enable_x64 else jnp.int32)
    d_rsqrt = 1.0 / math.sqrt(D_EMB)
    # One embedding table per field, each with CARD+1 rows (matching nn.Embedding(c + 1, d))
    tables = jax.random.uniform(jax.random.fold_in(key, 2), (N_FIELDS, CARD + 1, D_EMB), minval=-d_rsqrt, maxval=d_rsqrt, dtype=jnp.float32)
    return {"x": x, "tables": tables}

def reference(x, tables):
    # torch.stack([m(x[..., i]) for i, m in enumerate(self.embeddings)], dim=-2)
    outs = [jnp.take(tables[i], x[..., i], axis=0) for i in range(N_FIELDS)]
    return jnp.stack(outs, axis=-2)

if __name__ == "__main__":
    import jax
    _d = setup_inputs()
    print(jax.jit(kernel)(*tuple(_d.values())))

</pallas_src>

<mosaic_0001>
#map = affine_map<(d0, d1) -> (0, 0)>
#map1 = affine_map<(d0, d1) -> (0)>
module attributes {stable_mosaic.version = 14 : i64} {
  func.func @body(%arg0: i32, %arg1: i32, %arg2: memref<2600026x32xf32, #tpu.memory_space<hbm>>, %arg3: memref<425984xi32, #tpu.memory_space<hbm>>, %arg4: memref<425984x32xf32, #tpu.memory_space<hbm>>, %arg5: memref<1664xi32, #tpu.memory_space<vmem>>, %arg6: memref<1664xi32, #tpu.memory_space<vmem>>, %arg7: memref<1664x32xf32, #tpu.memory_space<vmem>>, %arg8: memref<!tpu.dma_semaphore, #tpu.memory_space<semaphore_mem>>) attributes {dimension_semantics = [#tpu.dimension_semantics<core_parallel>, #tpu.dimension_semantics<subcore_parallel>], iteration_bounds = array<i64: 2, 16>, scalar_prefetch = 0 : i64, scratch_operands = 4 : i64, tpu.core_type = #tpu.core_type<sc_vector_subcore>, window_params = [{transform_indices = #map}, {transform_indices = #map1}, {transform_indices = #map}]} {
    %mul3A = arith.constant 2 : i32
    %mul3A_0 = arith.muli %arg1, %mul3A : i32
    %add3A = arith.addi %mul3A_0, %arg0 : i32
    %mul3A_1 = arith.constant 13312 : i32
    %mul3A_2 = arith.muli %add3A, %mul3A_1 : i32
    %iota3A = tpu.iota {dimensions = array<i32: 0>} : vector<16xi32>
    %scan3A = arith.constant 0 : i32
    %scan3A_3 = arith.constant 0 : i32
    %scan3A_4 = arith.constant 104 : i32
    %scan3A_5 = arith.addi %scan3A_3, %scan3A_4 : i32
    %scan3A_6 = arith.constant 1 : i32
    scf.for %scan3A_14 = %scan3A_3 to %scan3A_5 step %scan3A_6  : i32 {
      %mul3A_15 = arith.constant 16 : i32
      %mul3A_16 = arith.muli %scan3A_14, %mul3A_15 : i32
      %mul3A_17 = arith.constant 16 : i32
      %mul3A_18 = arith.muli %scan3A_14, %mul3A_17 : i32
      %add3A_19 = vector.broadcast %mul3A_18 : i32 to vector<16xi32>
      %add3A_20 = arith.addi %add3A_19, %iota3A : vector<16xi32>
      %jit3A = arith.constant 26 : i32
      %eq3A = arith.constant 0 : i32
      %eq3A_21 = arith.cmpi eq, %jit3A, %eq3A : i32
      %jit3A_22 = arith.constant 1 : i32
      %select_n3A = arith.select %eq3A_21, %jit3A_22, %jit3A : i32
      %rem3A = vector.broadcast %select_n3A : i32 to vector<16xi32>
      %rem3A_23 = arith.remsi %add3A_20, %rem3A : vector<16xi32>
      %ne3A = arith.constant 0 : i32
      %ne3A_24 = vector.broadcast %ne3A : i32 to vector<16xi32>
      %ne3A_25 = arith.cmpi ne, %rem3A_23, %ne3A_24 : vector<16xi32>
      %lt3A = arith.constant 0 : i32
      %lt3A_26 = vector.broadcast %lt3A : i32 to vector<16xi32>
      %lt3A_27 = arith.cmpi slt, %rem3A_23, %lt3A_26 : vector<16xi32>
      %lt3A_28 = arith.constant 0 : i32
      %lt3A_29 = arith.cmpi slt, %select_n3A, %lt3A_28 : i32
      %ne3A_30 = vector.broadcast %lt3A_29 : i1 to vector<16xi1>
      %ne3A_31 = vector.broadcast %ne3A_30 : vector<16xi1> to vector<16xi1>
      %ne3A_32 = arith.xori %lt3A_27, %ne3A_31 : vector<16xi1>
      %and3A = arith.andi %ne3A_32, %ne3A_25 : vector<16xi1>
      %add3A_33 = vector.broadcast %select_n3A : i32 to vector<16xi32>
      %add3A_34 = arith.addi %rem3A_23, %add3A_33 : vector<16xi32>
      %select_n3A_35 = arith.select %and3A, %add3A_34, %rem3A_23 : vector<16xi1>, vector<16xi32>
      %mul3A_36 = arith.constant 100001 : i32
      %mul3A_37 = vector.broadcast %mul3A_36 : i32 to vector<16xi32>
      %mul3A_38 = arith.muli %select_n3A_35, %mul3A_37 : vector<16xi32>
      %swap3A = arith.index_cast %mul3A_16 : i32 to index
      %swap3A_39 = tpu.vector_load %arg5[%swap3A] {strides = array<i32>} : memref<1664xi32, #tpu.memory_space<vmem>>, vector<16xi32>,
      %swap3A_40 = vector.shape_cast %swap3A_39 : vector<16xi32> to vector<16xi32>
      %swap3A_41 = vector.shape_cast %mul3A_38 : vector<16xi32> to vector<16xi32>
      tpu.vector_store %arg5[%swap3A], %swap3A_41 {strides = array<i32>} : memref<1664xi32, #tpu.memory_space<vmem>>, vector<16xi32>,
    }
    %scan3A_7 = arith.constant 104 : i32
    %scan3A_8 = arith.constant 0 : i32
    %scan3A_9 = arith.constant 0 : i32
    %scan3A_10 = arith.constant 8 : i32
    %scan3A_11 = arith.addi %scan3A_9, %scan3A_10 : i32
    %scan3A_12 = arith.constant 1 : i32
    scf.for %scan3A_14 = %scan3A_9 to %scan3A_11 step %scan3A_12  : i32 {
      %mul3A_15 = arith.constant 1664 : i32
      %mul3A_16 = arith.muli %scan3A_14, %mul3A_15 : i32
      %add3A_17 = arith.addi %mul3A_2, %mul3A_16 : i32
      "tpu.region"() ({
        %run_scoped3A = tpu.sem_alloc : memref<!tpu.dma_semaphore, #tpu.memory_space<semaphore_mem>>
        %dma_start3A_28 = tpu.memref_slice %arg3[%add3A_17] : memref<425984xi32, #tpu.memory_space<hbm>> -> memref<1664xi32, #tpu.memory_space<hbm>>
        %dma_start3A_29 = tpu.memref_slice %arg3[%add3A_17] : memref<425984xi32, #tpu.memory_space<hbm>> -> memref<1664xi32, #tpu.memory_space<hbm>>
        tpu.enqueue_dma source(%dma_start3A_29 : memref<1664xi32, #tpu.memory_space<hbm>>) target(%arg6 : memref<1664xi32, #tpu.memory_space<vmem>>) target_semaphore(%run_scoped3A : memref<!tpu.dma_semaphore, #tpu.memory_space<semaphore_mem>>)
        %dma_wait3A_30 = tpu.memref_slice %arg3[%add3A_17] : memref<425984xi32, #tpu.memory_space<hbm>> -> memref<1664xi32, #tpu.memory_space<hbm>>
        %dma_wait3A_31 = tpu.memref_slice %arg3[%add3A_17] : memref<425984xi32, #tpu.memory_space<hbm>> -> memref<1664xi32, #tpu.memory_space<hbm>>
        tpu.wait_dma2 semaphore(%run_scoped3A : memref<!tpu.dma_semaphore, #tpu.memory_space<semaphore_mem>>) src(%dma_wait3A_31 : memref<1664xi32, #tpu.memory_space<hbm>>) dst(%arg6 : memref<1664xi32, #tpu.memory_space<vmem>>)
        tpu.yield
      }) : () -> ()
      %scan3A_18 = arith.constant 0 : i32
      %scan3A_19 = arith.constant 0 : i32
      %scan3A_20 = arith.constant 104 : i32
      %scan3A_21 = arith.addi %scan3A_19, %scan3A_20 : i32
      %scan3A_22 = arith.constant 1 : i32
      scf.for %scan3A_28 = %scan3A_19 to %scan3A_21 step %scan3A_22  : i32 {
        %mul3A_29 = arith.constant 16 : i32
        %mul3A_30 = arith.muli %scan3A_28, %mul3A_29 : i32
        %get3A = arith.index_cast %mul3A_30 : i32 to index
        %get3A_31 = tpu.vector_load %arg6[%get3A] {strides = array<i32>} : memref<1664xi32, #tpu.memory_space<vmem>>, vector<16xi32>,
        %get3A_32 = vector.shape_cast %get3A_31 : vector<16xi32> to vector<16xi32>
        %get3A_33 = arith.index_cast %mul3A_30 : i32 to index
        %get3A_34 = tpu.vector_load %arg5[%get3A_33] {strides = array<i32>} : memref<1664xi32, #tpu.memory_space<vmem>>, vector<16xi32>,
        %get3A_35 = vector.shape_cast %get3A_34 : vector<16xi32> to vector<16xi32>
        %add3A_36 = arith.addi %get3A_32, %get3A_35 : vector<16xi32>
        %swap3A = arith.index_cast %mul3A_30 : i32 to index
        %swap3A_37 = tpu.vector_load %arg6[%swap3A] {strides = array<i32>} : memref<1664xi32, #tpu.memory_space<vmem>>, vector<16xi32>,
        %swap3A_38 = vector.shape_cast %swap3A_37 : vector<16xi32> to vector<16xi32>
        %swap3A_39 = vector.shape_cast %add3A_36 : vector<16xi32> to vector<16xi32>
        tpu.vector_store %arg6[%swap3A], %swap3A_39 {strides = array<i32>} : memref<1664xi32, #tpu.memory_space<vmem>>, vector<16xi32>,
      }
      %scan3A_23 = arith.constant 104 : i32
      %dma_start3A = arith.constant 0 : i32
      %dma_start3A_24 = arith.constant 0 : i32
      %dma_start3A_25 = tpu.memref_slice %arg2[%dma_start3A, %dma_start3A_24] : memref<2600026x32xf32, #tpu.memory_space<hbm>> -> memref<2600026x32xf32, #tpu.memory_space<hbm>>
      tpu.enqueue_indirect_dma source(%dma_start3A_25 : memref<2600026x32xf32, #tpu.memory_space<hbm>>) target(%arg7 : memref<1664x32xf32, #tpu.memory_space<vmem>>) offsets(%arg6 : memref<1664xi32, #tpu.memory_space<vmem>>) semaphore(%arg8 : memref<!tpu.dma_semaphore, #tpu.memory_space<semaphore_mem>>)
      %dma_wait3A = arith.constant 0 : i32
      %dma_wait3A_26 = arith.constant 0 : i32
      %dma_wait3A_27 = tpu.memref_slice %arg2[%dma_wait3A, %dma_wait3A_26] : memref<2600026x32xf32, #tpu.memory_space<hbm>> -> memref<2600026x32xf32, #tpu.memory_space<hbm>>
      tpu.wait_indirect_dma semaphore(%arg8 : memref<!tpu.dma_semaphore, #tpu.memory_space<semaphore_mem>>) src(%dma_wait3A_27 : memref<2600026x32xf32, #tpu.memory_space<hbm>>) dst(%arg7 : memref<1664x32xf32, #tpu.memory_space<vmem>>)
      "tpu.region"() ({
        %run_scoped3A = tpu.sem_alloc : memref<!tpu.dma_semaphore, #tpu.memory_space<semaphore_mem>>
        %dma_start3A_28 = arith.constant 0 : i32
        %dma_start3A_29 = tpu.memref_slice %arg4[%add3A_17, %dma_start3A_28] : memref<425984x32xf32, #tpu.memory_space<hbm>> -> memref<1664x32xf32, #tpu.memory_space<hbm>>
        %dma_start3A_30 = arith.constant 0 : i32
        %dma_start3A_31 = tpu.memref_slice %arg4[%add3A_17, %dma_start3A_30] : memref<425984x32xf32, #tpu.memory_space<hbm>> -> memref<1664x32xf32, #tpu.memory_space<hbm>>
        tpu.enqueue_dma source(%arg7 : memref<1664x32xf32, #tpu.memory_space<vmem>>) target(%dma_start3A_31 : memref<1664x32xf32, #tpu.memory_space<hbm>>) target_semaphore(%run_scoped3A : memref<!tpu.dma_semaphore, #tpu.memory_space<semaphore_mem>>)
        %dma_wait3A_32 = arith.constant 0 : i32
        %dma_wait3A_33 = tpu.memref_slice %arg4[%add3A_17, %dma_wait3A_32] : memref<425984x32xf32, #tpu.memory_space<hbm>> -> memref<1664x32xf32, #tpu.memory_space<hbm>>
        %dma_wait3A_34 = arith.constant 0 : i32
        %dma_wait3A_35 = tpu.memref_slice %arg4[%add3A_17, %dma_wait3A_34] : memref<425984x32xf32, #tpu.memory_space<hbm>> -> memref<1664x32xf32, #tpu.memory_space<hbm>>
        tpu.wait_dma2 semaphore(%run_scoped3A : memref<!tpu.dma_semaphore, #tpu.memory_space<semaphore_mem>>) src(%arg7 : memref<1664x32xf32, #tpu.memory_space<vmem>>) dst(%dma_wait3A_35 : memref<1664x32xf32, #tpu.memory_space<hbm>>)
        tpu.yield
      }) : () -> ()
    }
    %scan3A_13 = arith.constant 8 : i32
    return
  }
}

</mosaic_0001>

<sc_bundles>
// kernel: kernel.3.cloned.1.call-start
scs
__scs_entry_jumppad:
0x0: {  	(pc) =	sbr.rel $0x88, $3  }
0x1: {  	(tag) =	ssettag $0x0;
	lr =	simm.s32 $0x1  }
0x2: {  	[smem:$0x3F9F] =	sst lr;
	_ =	strace $0xD0000000  }
0x3: {  	_ = 	snop  }
0x4: {  	_ = 	snop  }
0x5: {  	_ = 	snop  }
0x6: {  	_ = 	snop  }
0x7: {  	_ = 	snop  }
__scs_overlays_trampoline_lowered:
0x8: {  	[smem:$0x3FAE] =	sst s0  }
0x9: {  	[smem:$0x3FAF] =	sst s1  }
0xa: {  	[smem:$0x3FB0] =	sst s2  }
0xb: {  	[smem:$0x3FB1] =	sst s3  }
0xc: {  	[smem:$0x3FB2] =	sst s4  }
0xd: {  	[smem:$0x3FB3] =	sst s5  }
0xe: {  	[smem:$0x3FB4] =	sst s6  }
0xf: {  	[smem:$0x3FB5] =	sst s7  }
0x10: {  	[smem:$0x3FB6] =	sst s8  }
0x11: {  	[smem:$0x3FB7] =	sst s9;
	s0 =	simm.s32 @!p0 $0x0  }
0x12: {  	s1 =	sld [smem:$0x3F9D];
	s0 =	simm.s32 @p0 $0x1  }
0x13: {  	[smem:$0x3FB8] =	sst s0;
	s0 =	simm.s32 @!p1 $0x0  }
0x14: {  	s2 =	sld [smem:$0x3F9C];
	s0 =	simm.s32 @p1 $0x1  }
0x15: {  	[smem:$0x3FB9] =	sst s0;
	s0 =	simm.s32 @!p2 $0x0  }
0x16: {  	s3 =	sld [smem:$0x3FDB];
	s0 =	simm.s32 @p2 $0x1  }
0x17: {  	s4 =	simm.s32 $0x1BF5;
	[smem:$0x3FBB] =	sst s0  }
0x18: {  	s0 =	sld [smem:$0x3F9E];
	_ =	swait.ge [sflag:s4], $0x0  }
0x19: {  	s7 =	sld [smem:$0x3F9F]  }
0x1a: {  	s8 =	sadd.s32 $0xFFFFE003, lr  }
0x1b: {  	s9 =	sadd.s32 $0xFFFFFEF7, lr;
	s5 =	simm.s32 $0xFFFFFFFF;
	p2 =	slt.u32 s8, $0xFFFFF086  }
0x1c: {  	p1 =	slt.u32 s9, $0xF7A;
	s5 =	simm.s32 @!p2 $0x0  }
0x1d: {  	s5 =	simm.s32 @p1 $0x1;
	p0 =	seq.s32 s7, s2  }
0x1e: {  	s7 =	smul.u32 @!p0 $0xF7A, s2;
	p2 =	seq.s32 @!p0 s5, $0x0  }
0x1f: {  	s9 =	smul.u32 $0xF7A, s1;
	s8 =	simm.s32 @!p0 $0x1BF5;
	p2 =	por !p2, p0  }
0x20: {  	[sflag:s8] =	ssyncset.s32 @!p0 $0xFFFFF086;
	s6 =	sadd.s32 @!p0 s3, s7;
	s7 =	simm.s32 @!p0 $0x108  }
0x21: {  	s3 =	sadd.s32 s3, s9;
	s6 =	sadd.s32 @!p0 $0x88, s6;
	s7 =	simm.s32 @p2 $0x1082  }
0x22: {  	[simem:s7], [sflag:s8] =	dma.local @!p0 [hbm:s6], $0xF7A  }
0x23: {  	s9 =	sor.u32 $0xD0000000, s2;
	s6 =	simm.s32 $0x108;
	_ =	swait.ge @!p0 [sflag:s8], $0x0  }
0x24: {  	s3 =	sadd.s32 $0x88, s3;
	s6 =	simm.s32 @!p1 $0x1082;
	[sflag:s4] =	ssyncset.s32 $0xFFFFF086  }
0x25: {  	[simem:s6], [sflag:s4] =	dma.local [hbm:s3], $0xF7A  }
0x26: {  	[smem:$0x3F9F] =	sst s1;
	(tag) =	ssettag s2;
	_ =	strace s9  }
0x27: {  	s1 =	sld [smem:$0x3FAF]  }
0x28: {  	s2 =	sld [smem:$0x3FB0]  }
0x29: {  	s4 =	sld [smem:$0x3FB2]  }
0x2a: {  	p0 =	seq.s32 s5, $0x0;
	s5 =	sld [smem:$0x3FB3]  }
0x2b: {  	s6 =	sld [smem:$0x3FB4]  }
0x2c: {  	s7 =	sld [smem:$0x3FB5]  }
0x2d: {  	s3 =	simm.s32 $0x108;
	s8 =	sld [smem:$0x3FB6]  }
0x2e: {  	s3 =	simm.s32 @!p0 $0x1082;
	s9 =	sld [smem:$0x3FB7]  }
0x2f: {  	lr =	sadd.s32 s0, s3;
	s0 =	sld [smem:$0x3FAE]  }
0x30: {  	s3 =	sld [smem:$0x3FB1]  }
0x31: {  	[smem:$0x3FBA] =	sst s10  }
0x32: {  	s10 =	sld [smem:$0x3FB8];
	_ =	sdelay $0x3  }
0x33: {  	p0 =	seq.s32 s10, $0x1;
	s10 =	sld [smem:$0x3FBA];
	_ =	sdelay $0x3  }
0x34: {  	[smem:$0x3FBA] =	sst s10  }
0x35: {  	s10 =	sld [smem:$0x3FB9];
	_ =	sdelay $0x3  }
0x36: {  	p1 =	seq.s32 s10, $0x1;
	s10 =	sld [smem:$0x3FBA];
	_ =	sdelay $0x3  }
0x37: {  	[smem:$0x3FBA] =	sst s10  }
0x38: {  	s10 =	sld [smem:$0x3FBB]  }
0x39: {  	_ = 	snop;
	(pc) =	sbr.ind lr, $3  }
0x3a: {  	_ = 	snop  }
0x3b: {  	_ = 	snop  }
0x3c: {  	p2 =	seq.s32 s10, $0x1;
	s10 =	sld [smem:$0x3FBA]  }
0x3d: {  	_ =	shalt  }
0x3e: {  	_ =	shalt  }
0x3f: {  	_ =	shalt  }
0x40: {  	_ =	shalt  }
0x41: {  	_ =	shalt  }
0x42: {  	_ =	shalt  }
0x43: {  	_ =	shalt  }
0x44: {  	_ =	shalt  }
0x45: {  	_ =	shalt  }
0x46: {  	_ =	shalt  }
0x47: {  	_ =	shalt  }
0x48: {  	_ =	shalt  }
0x49: {  	_ =	shalt  }
0x4a: {  	_ =	shalt  }
0x4b: {  	_ =	shalt  }
0x4c: {  	_ =	shalt  }
0x4d: {  	_ =	shalt  }
0x4e: {  	_ =	shalt  }
0x4f: {  	_ =	shalt  }
0x50: {  	_ =	shalt  }
0x51: {  	_ =	shalt  }
0x52: {  	_ =	shalt  }
0x53: {  	_ =	shalt  }
0x54: {  	_ =	shalt  }
0x55: {  	_ =	shalt  }
0x56: {  	_ =	shalt  }
0x57: {  	_ =	shalt  }
0x58: {  	_ =	shalt  }
0x59: {  	_ =	shalt  }
0x5a: {  	_ =	shalt  }
0x5b: {  	_ =	shalt  }
0x5c: {  	_ =	shalt  }
0x5d: {  	_ =	shalt  }
0x5e: {  	_ =	shalt  }
0x5f: {  	_ =	shalt  }
0x60: {  	_ =	shalt  }
0x61: {  	_ =	shalt  }
0x62: {  	_ =	shalt  }
0x63: {  	_ =	shalt  }
0x64: {  	_ =	shalt  }
0x65: {  	_ =	shalt  }
0x66: {  	_ =	shalt  }
0x67: {  	_ =	shalt  }
0x68: {  	_ =	shalt  }
0x69: {  	_ =	shalt  }
0x6a: {  	_ =	shalt  }
0x6b: {  	_ =	shalt  }
0x6c: {  	_ =	shalt  }
0x6d: {  	_ =	shalt  }
0x6e: {  	_ =	shalt  }
0x6f: {  	_ =	shalt  }
0x70: {  	_ =	shalt  }
0x71: {  	_ =	shalt  }
0x72: {  	_ =	shalt  }
0x73: {  	_ =	shalt  }
0x74: {  	_ =	shalt  }
0x75: {  	_ =	shalt  }
0x76: {  	_ =	shalt  }
0x77: {  	_ =	shalt  }
0x78: {  	_ =	shalt  }
0x79: {  	_ =	shalt  }
0x7a: {  	_ =	shalt  }
0x7b: {  	_ =	shalt  }
0x7c: {  	_ =	shalt  }
0x7d: {  	_ =	shalt  }
0x7e: {  	_ =	shalt  }
0x7f: {  	_ =	shalt  }
0x80: {  	_ =	shalt  }
0x81: {  	_ =	shalt  }
0x82: {  	_ =	shalt  }
0x83: {  	_ =	shalt  }
0x84: {  	_ =	shalt  }
0x85: {  	_ =	shalt  }
0x86: {  	_ =	shalt  }
0x87: {  	_ =	shalt  }
.Lfunc_end0:
.L_simem_size_0:
called_computation.2_lowered:
.L_overlay_start_0:
0x88: {  	s2 =	sld [smem:$0x3FD9]  }
0x89: {  	s3 =	sld [smem:$0x3FFE];
	_ =	sdelay $0x1  }
0x8a: {  	s1 =	srdreg.scid  }
0x8b: {  	s0 =	sand.u32 $0x1, s1  }
0x8c: {  	s17 =	sshll.u32 s0, $0xA;
	s2 =	sadd.s32 s3, s2  }
0x8d: {  	s2 =	sadd.s32 s2, s17  }
0x8e: {  	[smem:$0x3FC6] =	sst s2  }
0x8f: {  	_ = 	snop  }
0x90: {  	s2 =	sld [smem:$0x3FD0];
	(tm) =	ssettm $0x1  }
0x91: {  	s18 =	sld [smem:$0x3FFB];
	_ =	sdelay $0x3  }
0x92: {  	_ =	strace s18  }
0x93: {  	s3 =	sld [smem:$0x3FFC];
	_ =	sdelay $0x3  }
0x94: {  	_ =	strace s3  }
0x95: {  	s3 =	sld [smem:$0x3FFD];
	_ =	sdelay $0x3  }
0x96: {  	_ =	strace s3  }
0x97: {  	_ =	strace $0x8FFFFFFF  }
0x98: {  	s19 =	sld [smem:$0x3FDB];
	_ =	sdelay $0x1  }
0x99: {  	s4 =	simm.s32 $_scs_section_size  }
0x9a: {  	s5 =	simm.s32 $_size__tile_overlayer_lowered;
	s6 =	simm.s32 $_tile_overlayer_lowered  }
0x9b: {  	s22 =	simm.s32 $0x1BFF;
	s21 =	sshll.u32 s6, $0x1;
	s3 =	sadd.s32 s4, s19  }
0x9c: {  	s7 =	simm.s32 $0x0;
	s20 =	sshll.u32 s5, $0x1;
	s5 =	sadd.s32 s21, s3  }
0x9d: {  	[timem:s7], [sflag:s22] =	dma.local [hbm:s5], s20  }
0x9e: {  	_ =	swait.ge [sflag:s22], s20  }
0x9f: {  	s4 =	ssub.s32 $0x0, s20;
	[sflag:s22] =	ssyncset.done $0x0  }
0xa0: {  	[sflag:s22] =	ssyncadd.s32 s4;
	_ =	sdelay $0x1  }
0xa1: {  	s23 =	simm.s32 $0x1B8B  }
0xa2: {  	_ =	swait.ge [sflag:s23], $0x1  }
0xa3: {  	[sflag:s23] =	ssyncset.done $0x0  }
0xa4: {  	s25 =	simm.s32 $0x1B8E;
	s24 =	sld [smem:$0x3FFE];
	[sflag:s23] =	ssyncadd.s32 $0xFFFFFFFF  }
0xa5: {  	s26 =	simm.s32 $execute0_lowered;
	[smem:$0x3FD2] =	sst s25  }
0xa6: {  	s5 =	sshll.u32 s26, $0x1;
	_ =	strace $0x80000049;
	[dreg:$0x1] =	wrdreg $0xFFFFFFFF  }
0xa7: {  	s28 =	simm.s32 $_size_execute0_lowered;
	s3 =	sadd.s32 s3, s5;
	[dreg:$0x0] =	wrdreg $0x0  }
0xa8: {  	s5 =	sshll.u32 s28, $0x1;
	[dreg:$0x2] =	wrdreg s3  }
0xa9: {  	[dreg:$0x3] =	wrdreg s5  }
0xaa: {  	[dreg:$0x4] =	wrdreg $0xC0  }
0xab: {  	_ =	task [dreg:s7], $0x5FFFF  }
0xac: {  	[dreg:$0x1] =	wrdreg $0xFFFFFFFF  }
0xad: {  	[dreg:$0x0] =	wrdreg $0x60  }
0xae: {  	[dreg:$0x2] =	wrdreg s24  }
0xaf: {  	[dreg:$0x3] =	wrdreg s2  }
0xb0: {  	[dreg:$0x4] =	wrdreg $0x9  }
0xb1: {  	_ =	task.clear_ibuf [dreg:s7], $0x5FFFF;
	_ =	strace $0x90000049  }
0xb2: {  	s29 =	simm.s32 $0x9;
	_ =	strace $0x8000004B  }
0xb3: {  	_ =	swait.ge [sflag:s29], $0x1  }
0xb4: {  	[sflag:s29] =	ssyncadd.s32 $0xFFFFFFFF  }
0xb5: {  	_ =	strace $0x9000004B  }
0xb6: {  	_ =	sfence  }
0xb7: {  	s30 =	sld [smem:$0x0];
	_ =	sdelay $0x2  }
0xb8: {  	s31 =	sshll.u32 s1, $0xD;
	s1 =	sshrl.u32 s1, $0x2  }
0xb9: {  	s3 =	sand.u32 $0x4000, s31;
	s1 =	sadd.s32 s1, s30  }
0xba: {  	s0 =	sor.u32 s3, s0;
	s1 =	sshll.u32 s1, $0x11  }
0xbb: {  	s0 =	sor.u32 s1, s0  }
0xbc: {  	s0 =	sadd.s32 $0x8F2B, s0  }
0xbd: {  	[sflag:s0] =	ssyncadd.remote.s32 $0x1  }
0xbe: {  	_ =	sfence.sel $0xFFFF  }
0xbf: {  	[dreg:$0x0] =	wrdreg $0xFFFFFFFF;
	(pc) =	sbr.abs _section_cstart, $3  }
0xc0: {  	[dreg:$0x1] =	wrdreg $0xFFFFFFFF  }
0xc1: {  	_ =	task.clear_ibuf [dreg:s7], $0x2FFFF;
	_ =	strace $0x9FFFFFFF  }
0xc2: {  	(tm) =	ssettm $0x7FFFFFFF  }
0xc3: {  	_ =	shalt  }
tec
execute0_lowered:
.L_overlay_start_1:
0x0: {  	(tag) =	ssettag $0x1  }
0x1: {  	s5 =	rddreg [dreg:$0x0]  }
0x2: {  	s1 =	rddreg [dreg:$0x1]  }
0x3: {  	s0 =	rddreg [dreg:$0x2];
	s3 =	simm.s32 $0x0;
	s4 =	srdreg.scid  }
0x4: {  	s2 =	stileid.u32;
	s10 =	simm.s32 $0xD00;
	s11 =	simm.s32 $0x1  }
0x5: {  	s12 =	simm.s32 $0x0;
	[smem:$0x7FF] =	sst s3;
	s6 =	sand.u32 $0x1, s4  }
0x6: {  	s8 =	sshll.u32 s2, $0x1;
	s4 =	sadd.s32 $0xFC00, s5;
	s7 =	ssub.s32 $0x2, s6  }
0x7: {  	s5 =	sadd.s32 $0x2C00, s5;
	_ =	strace $0x8000004A;
	s9 =	sshrl.u32 s7, $0x1  }
0x8: {  	s6 =	sor.u32 s6, s8;
	s8 =	simm.s32 $0x680;
	s7 =	ssub.s32 s7, s9  }
0x9: {  	v0 =	vlaneseq.u32;
	s6 =	smul.u32 $0x3400, s6;
	s9 =	simm.s32 $0x2;
	s7 =	smax.u32 s7, $0x1  }
.LBB2_1:
0xa: {  	v2 =	vor.u32 s3, v0  }
0xb: {  	v1 =	vmulhi.u32 $0x4EC4EC4F, v2;
	_ =	sdelay $0x1  }
0xc: {  	v1 =	vshrl.u32 v1, $0x3  }
0xd: {  	s13 =	simm.s32 $0x10;
	v3 =	vmul.u32 $0x1A, v1  }
0xe: {  	v1 =	vor.u32 s13, v0  }
0xf: {  	v2 =	vsub.s32 v2, v3;
	v3 =	vmulhi.u32 $0x4EC4EC4F, v1  }
0x10: {  	v2 =	vmul.u32 $0x186A1, v2  }
0x11: {  	v3 =	vshrl.u32 v3, $0x3  }
0x12: {  	s14 =	simm.s32 $0x20;
	s13 =	simm.s32 $0x0;
	[tilespmem:s3+$0x0] =	vst v2;
	v2 =	vmul.u32 $0x1A, v3  }
.LBB2_2:
0x13: {  	p0 =	sne.s32 s14, $0x670  }
.Ltmp0:
0x14: {  	v2 =	vsub.s32 v1, v2;
	v1 =	vor.u32 s14, v0;
	s14 =	sadd.s32 $0x10, s14;
	(pc) =	sbr.rel @p0 .LBB2_2-.Ltmp0, $4  }
0x15: {  	v3 =	vmulhi.u32 $0x4EC4EC4F, v1;
	v2 =	vmul.u32 $0x186A1, v2  }
0x16: {  	s13 =	sadd.s32 $0x10, s13  }
0x17: {  	v3 =	vshrl.u32 v3, $0x3;
	[tilespmem:s13+$0x0] =	vst v2  }
0x18: {  	v2 =	vmul.u32 $0x1A, v3  }
0x19: {  	_ = 	snop  }
0x1a: {  	v1 =	vsub.s32 v1, v2  }
0x1b: {  	v1 =	vmul.u32 $0x186A1, v1  }
0x1c: {  	s13 =	sadd.s32 $0x10, s13  }
0x1d: {  	s14 =	simm.s32 $0x0;
	[tilespmem:s13+$0x0] =	vst v1;
	s13 =	simm.s32 $0x0  }
.LBB2_4:
0x1e: {  	s15 =	smul.u32 $0x680, s14;
	_ =	sdelay $0x1  }
0x1f: {  	s15 =	sadd.s32 s6, s15  }
0x20: {  	s16 =	sshrl.u32 s15, $0x3  }
0x21: {  	p0 =	por $0x1, $0x1;
	s16 =	sadd.s32 s5, s16  }
0x22: {  	[tilespmem:s8], [sflag:$0x2] =	stream.linear.gather [hbm4b:s16+s13], $0x680, $0x38;
	[tilespmem:$0xDD00] =	vst v63  }
.Ltmp1:
0x23: {  	_ = 	snop;
	(pc) =	sbr.rel @!p0 .LBB2_6-.Ltmp1, $4  }
0x24: {  	_ =	swait.ge [sflag:s9], $0x680  }
0x25: {  	[sflag:s9] =	ssyncset.done $0x0  }
0x26: {  	s16 =	simm.s32 $0x0;
	[sflag:s9] =	ssyncadd.s32 $0xFFFFF980  }
0x27: {  	s17 =	simm.s32 $0x40;
	v1 =	vld [tilespmem:s16+$0x0]  }
.LBB2_5:
0x28: {  	p0 =	sne.s32 s17, $0x19C0;
	v2 =	vld [tilespmem:s16+$0x680];
	_ =	sdelay $0x1  }
.Ltmp2:
0x29: {  	(pc) =	sbr.rel @p0 .LBB2_5-.Ltmp2, $3  }
0x2a: {  	_ =	sdelay $0x1  }
0x2b: {  	s18 =	sshra.s32 s17, $0x2;
	v2 =	vadd.s32 v2, v1  }
0x2c: {  	s17 =	sadd.s32 $0x40, s17;
	v1 =	vld [tilespmem:s18+$0x0];
	[tilespmem:s16+$0x680] =	vst v2;
	s16 =	smov.u32 s18  }
.LBB2_6:
0x2d: {  	v2 =	vld [tilespmem:s16+$0x680];
	_ =	sdelay $0x4  }
0x2e: {  	v1 =	vadd.s32 v2, v1  }
0x2f: {  	[tilespmem:s16+$0x680] =	vst v1  }
0x30: {  	[tilespmem:s10], [sflag:$0x1] =	stream.indirect.gather [hbm4b:s4+s8], $0x20, s8, s8, $0xb8;
	[tilespmem:$0xDD00] =	vst v63  }
0x31: {  	s14 =	sadd.s32 $0x1, s14;
	_ =	swait.ge [sflag:s11], $0xD000  }
0x32: {  	s15 =	sshll.u32 s15, $0x2;
	p0 =	sne.s32 s14, $0x8;
	[sflag:s11] =	ssyncset.done $0x0  }
.Ltmp3:
0x33: {  	s15 =	sadd.s32 s1, s15;
	[sflag:s11] =	ssyncadd.s32 $0xFFFF3000;
	(pc) =	sbr.rel @p0 .LBB2_4-.Ltmp3, $4  }
0x34: {  	[hbm4b:s15+s3] =	stream.linear.scatter [tilespmem:s10], [sflag:$0x2], $0xD000, $0x38;
	[tilespmem:$0xDD00] =	vst v63  }
0x35: {  	_ =	swait.ge [sflag:s9], $0xD000  }
0x36: {  	[sflag:s9] =	ssyncset.done $0x0  }
0x37: {  	[sflag:s9] =	ssyncadd.s32 $0xFFFF3000  }
0x38: {  	s12 =	sadd.s32 $0x1, s12  }
0x39: {  	p0 =	sne.s32 s12, s7  }
.Ltmp4:
0x3a: {  	_ = 	snop;
	(pc) =	sbr.rel @p0 .LBB2_1-.Ltmp4, $1  }
0x3b: {  	_ =	sdelay $0x3  }
0x3c: {  	_ =	sfence.sel $0x180000  }
0x3d: {  	[bflag:$0x0] =	sbarrier.arrive $0xFFFF  }
0x3e: {  	p0 =	sne.s32 s2, $0x0;
	_ =	strace $0x9000004A  }
0x3f: {  	s0 =	sadd.s32 @!p0 $0x100000, s0;
	[bflag:$0x2] =	sbarrier.arrive $0xFFFF  }
0x40: {  	[sflag:s0] =	ssyncadd.tile.s32 @!p0 $0x1;
	_ =	shalt  }
.Lfunc_end2:
_tile_overlayer_lowered:
.L_overlay_start_2:
0x41: {  	(tag) =	ssettag $0x2  }
0x42: {  	s0 =	rddreg [dreg:$0x0];
	s2 =	stileid.u32  }
0x43: {  	s1 =	rddreg [dreg:$0x1];
	p0 =	sne.s32 s2, $0x0  }
0x44: {  	s3 =	rddreg [dreg:$0x2];
	[bflag:$0x3] =	sbarrier.arrive $0xFFFF;
	s2 =	simm.s32 @!p0 $0x1C02  }
0x45: {  	[timem:s3], [sflag:s2] =	dma.local @!p0 [hbm:s0], s1  }
0x46: {  	s0 =	simm.s32 @!p0 $0x2  }
0x47: {  	_ =	swait.ge @!p0 [sflag:s0], s1  }
0x48: {  	s1 =	ssub.s32 @!p0 $0x0, s1;
	[sflag:s0] =	ssyncset.done @!p0 $0x0  }
0x49: {  	[sflag:s0] =	ssyncadd.s32 @!p0 s1  }
0x4a: {  	[bflag:$0x3] =	sbarrier.arrive $0xFFFF  }
0x4b: {  	_ =	shalt  }

// kernel: sparse-core-data-format-call.1.cloned.1.call-start
scs
called_computation.1_lowered:
.L_overlay_start_0:
0x0: {  	s1 =	sld [smem:$0x3FD9]  }
0x1: {  	s2 =	sld [smem:$0x3FFE];
	_ =	sdelay $0x1  }
0x2: {  	s3 =	srdreg.scid  }
0x3: {  	s0 =	sand.u32 $0x1, s3  }
0x4: {  	s17 =	sshll.u32 s0, $0xA;
	s1 =	sadd.s32 s2, s1  }
0x5: {  	s1 =	sadd.s32 s1, s17  }
0x6: {  	[smem:$0x3FC6] =	sst s1  }
0x7: {  	_ = 	snop  }
0x8: {  	(tm) =	ssettm $0x1  }
0x9: {  	s18 =	sld [smem:$0x3FFB];
	_ =	sdelay $0x3  }
0xa: {  	_ =	strace s18  }
0xb: {  	s1 =	sld [smem:$0x3FFC];
	_ =	sdelay $0x3  }
0xc: {  	_ =	strace s1  }
0xd: {  	s1 =	sld [smem:$0x3FFD];
	_ =	sdelay $0x3  }
0xe: {  	_ =	strace s1  }
0xf: {  	_ =	strace $0x8FFFFFFF  }
0x10: {  	s19 =	sld [smem:$0x3FDB];
	_ =	sdelay $0x1  }
0x11: {  	s20 =	simm.s32 $_scs_section_size  }
0x12: {  	s4 =	simm.s32 $_size__tile_overlayer_lowered;
	s5 =	simm.s32 $_tile_overlayer_lowered  }
0x13: {  	s23 =	simm.s32 $0x1BFF;
	s22 =	sshll.u32 s5, $0x1;
	s1 =	sadd.s32 s20, s19  }
0x14: {  	s6 =	simm.s32 $0x0;
	s21 =	sshll.u32 s4, $0x1;
	s4 =	sadd.s32 s22, s1  }
0x15: {  	[timem:s6], [sflag:s23] =	dma.local [hbm:s4], s21  }
0x16: {  	_ =	swait.ge [sflag:s23], s21  }
0x17: {  	s2 =	ssub.s32 $0x0, s21;
	[sflag:s23] =	ssyncset.done $0x0  }
0x18: {  	[sflag:s23] =	ssyncadd.s32 s2;
	_ =	sdelay $0x1  }
0x19: {  	s24 =	simm.s32 $0x1B8B  }
0x1a: {  	_ =	swait.ge [sflag:s24], $0x1  }
0x1b: {  	[sflag:s24] =	ssyncset.done $0x0  }
0x1c: {  	s26 =	simm.s32 $0x1B8E;
	s25 =	sld [smem:$0x3FFE];
	[sflag:s24] =	ssyncadd.s32 $0xFFFFFFFF  }
0x1d: {  	s27 =	simm.s32 $execute0_lowered;
	[smem:$0x3FD2] =	sst s26  }
0x1e: {  	s4 =	sshll.u32 s27, $0x1;
	_ =	strace $0x80000046;
	[dreg:$0x1] =	wrdreg $0xFFFFFFFF  }
0x1f: {  	s28 =	simm.s32 $_size_execute0_lowered;
	s1 =	sadd.s32 s1, s4;
	[dreg:$0x0] =	wrdreg $0x0  }
0x20: {  	s4 =	sshll.u32 s28, $0x1;
	[dreg:$0x2] =	wrdreg s1  }
0x21: {  	[dreg:$0x3] =	wrdreg s4  }
0x22: {  	[dreg:$0x4] =	wrdreg $0xC0  }
0x23: {  	_ =	task [dreg:s6], $0x5FFFF  }
0x24: {  	[dreg:$0x1] =	wrdreg $0xFFFFFFFF  }
0x25: {  	[dreg:$0x0] =	wrdreg $0x60  }
0x26: {  	[dreg:$0x2] =	wrdreg s25  }
0x27: {  	[dreg:$0x3] =	wrdreg $0x9  }
0x28: {  	_ =	task.clear_ibuf [dreg:s6], $0x4FFFF;
	_ =	strace $0x90000046  }
0x29: {  	s29 =	simm.s32 $0x9;
	_ =	strace $0x80000048  }
0x2a: {  	_ =	swait.ge [sflag:s29], $0x1  }
0x2b: {  	[sflag:s29] =	ssyncadd.s32 $0xFFFFFFFF  }
0x2c: {  	_ =	strace $0x90000048  }
0x2d: {  	_ =	sfence  }
0x2e: {  	s30 =	sld [smem:$0x0];
	_ =	sdelay $0x2  }
0x2f: {  	s31 =	sshll.u32 s3, $0xD;
	s3 =	sshrl.u32 s3, $0x2  }
0x30: {  	s2 =	sand.u32 $0x4000, s31;
	s1 =	sadd.s32 s3, s30  }
0x31: {  	s0 =	sor.u32 s2, s0;
	s1 =	sshll.u32 s1, $0x11  }
0x32: {  	s0 =	sor.u32 s1, s0  }
0x33: {  	s0 =	sadd.s32 $0x8F2B, s0  }
0x34: {  	[sflag:s0] =	ssyncadd.remote.s32 $0x1  }
0x35: {  	_ =	sfence.sel $0xFFFF  }
0x36: {  	[dreg:$0x0] =	wrdreg $0xFFFFFFFF;
	(pc) =	sbr.abs _section_cstart, $3  }
0x37: {  	[dreg:$0x1] =	wrdreg $0xFFFFFFFF  }
0x38: {  	_ =	task.clear_ibuf [dreg:s6], $0x2FFFF;
	_ =	strace $0x9FFFFFFF  }
0x39: {  	(tm) =	ssettm $0x7FFFFFFF  }
tec
execute0_lowered:
.L_overlay_start_1:
0x0: {  	(tag) =	ssettag $0x1  }
0x1: {  	s0 =	srdreg.scid  }
0x2: {  	s5 =	rddreg [dreg:$0x0];
	s1 =	stileid.u32;
	s4 =	simm.s32 $0x1  }
0x3: {  	s6 =	simm.s32 $0x2;
	s15 =	simm.s32 $0x0;
	p0 =	por $0x0, $0x0  }
0x4: {  	s8 =	simm.s32 $0x80;
	s14 =	simm.s32 $0x0;
	s2 =	sshll.u32 s0, $0x4  }
0x5: {  	s9 =	simm.s32 $0x0;
	s10 =	simm.s32 $0x0;
	s2 =	sand.u32 $0x10, s2  }
.Ltmp0:
0x6: {  	s12 =	simm.s32 $0x0;
	s3 =	sor.u32 s1, s2;
	(pc) =	sbr.rel .LBB1_1-.Ltmp0, $4  }
0x7: {  	s0 =	rddreg [dreg:$0x1];
	_ =	strace $0x80000047;
	s3 =	sshll.u32 s3, $0x7  }
0x8: {  	s13 =	simm.s32 $0x0;
	[sflag:s4] =	ssyncpa.u1 $0x0;
	s7 =	ssub.s32 $0x27AC00, s3  }
0x9: {  	s2 =	sadd.s32 $0x1828600, s5;
	[sflag:s6] =	ssyncpa.u1 $0x0;
	s6 =	sshrl.u32 s7, $0xC  }
0xa: {  	s5 =	sadd.s32 $0x2213800, s5;
	s11 =	smov.u32 s3;
	s7 =	sadd.s32 $0x2, s6  }
.LBB1_5:
0xb: {  	p1 =	slt.u32 s13, $0x2  }
0xc: {  	s17 =	smov.u32 s15;
	p2 =	sgt.s32 @!p1 s15, $0x27ABE0;
	s16 =	sshra.s32 @!p1 s15, $0x1F  }
0xd: {  	p3 =	sgt.s32 @!p1 s14, $0x60;
	s18 =	sshra.s32 @!p1 s14, $0x1F;
	p2 =	por !p2, p1  }
0xe: {  	s15 =	sand.u32 @!p1 s16, s15;
	p3 =	por !p3, p1;
	s16 =	smov.u32 s14  }
0xf: {  	s14 =	sand.u32 @!p1 s18, s14;
	s17 =	simm.s32 @p2 $0x27ABE0;
	s16 =	simm.s32 @p3 $0x60  }
0x10: {  	s15 =	ssub.s32 @!p1 s17, s15;
	s14 =	ssub.s32 @!p1 s16, s14  }
0x11: {  	s18 =	smov.u32 s12;
	s16 =	sadd.s32 @!p1 $0xFFD85420, s15;
	s17 =	sadd.s32 @!p1 $0xFFFFFFA0, s14  }
0x12: {  	s15 =	ssub.s32 @!p1 $0x27AC60, s15;
	p2 =	sgt.s32 @!p1 s16, $0x7F;
	p3 =	sgt.s32 @!p1 s17, $0x1F  }
0x13: {  	s14 =	ssub.s32 @!p1 $0x80, s14;
	p2 =	por !p2, p1;
	p3 =	por !p3, p1  }
0x14: {  	s16 =	sadd.s32 $0x1000, s11;
	s15 =	simm.s32 @!p2 $0x0;
	s14 =	simm.s32 @!p3 $0x0  }
0x15: {  	p2 =	sgt.s32 s16, $0x27AC59;
	s14 =	smul.u32 @!p1 s14, s15;
	s15 =	sadd.s32 $0x20, s12  }
0x16: {  	s18 =	smov.u32 @p2 s15  }
0x17: {  	s16 =	smov.u32 @p2 s3;
	p2 =	sgt.s32 s18, $0x1F  }
0x18: {  	s18 =	simm.s32 @p2 $0x0;
	p2 =	sne.s32 s13, s7  }
.Ltmp1:
0x19: {  	p0 =	por !p0, !p0;
	s17 =	simm.s32 @!p1 $0x2;
	(pc) =	sbr.rel @!p2 .LBB1_6-.Ltmp1, $4  }
0x1a: {  	s15 =	smov.u32 s9;
	s9 =	smov.u32 s11;
	s14 =	sand.u32 @!p1 $0x3FFFFFFF, s14  }
0x1b: {  	s11 =	smov.u32 s16;
	_ =	swait.ge @!p1 [sflag:s17], s14;
	s19 =	ssub.s32 @!p1 $0x0, s14  }
0x1c: {  	s14 =	smov.u32 s10;
	s13 =	sadd.s32 $0x1, s13;
	[sflag:s17] =	ssyncset.done @!p1 $0x0  }
0x1d: {  	s10 =	smov.u32 s12;
	s12 =	smov.u32 s18;
	[sflag:s17] =	ssyncadd.s32 @!p1 s19  }
.LBB1_1:
0x1e: {  	p1 =	sgt.u32 s13, s6  }
0x1f: {  	s16 =	sshrl.u32 @!p1 s12, $0x3  }
0x20: {  	s17 =	sshll.u32 @!p1 s11, $0x3;
	s16 =	smul.u32 @!p1 $0x13D6400, s16  }
0x21: {  	s18 =	sshll.u32 @!p1 s12, $0x7;
	s17 =	sand.u32 @!p1 $0xFFFFFC00, s17  }
0x22: {  	s16 =	sadd.s32 @!p1 s16, s17;
	s17 =	sand.u32 @!p1 $0x380, s18  }
0x23: {  	s18 =	sand.u32 @!p1 $0x7F, s11;
	s16 =	sor.u32 @!p1 s17, s16  }
0x24: {  	s17 =	sor.u32 @!p1 s18, s16  }
0x25: {  	s18 =	smulhi.u32 @!p1 $0xCE7BD5B5, s17;
	_ =	sdelay $0x1  }
0x26: {  	s16 =	smulhi.u32 @!p1 $0xCE7BD5B5, s16;
	s18 =	sshrl.u32 @!p1 s18, $0x15  }
0x27: {  	s18 =	smul.u32 @!p1 $0x27AC80, s18  }
0x28: {  	s19 =	sxor.u32 @!p1 $0xFFFFFFFF, s13;
	s16 =	sshrl.u32 @!p1 s16, $0x15  }
0x29: {  	s19 =	sshll.u32 @!p1 s19, $0xC;
	s16 =	sand.u32 @!p1 $0x1F, s16;
	s17 =	ssub.s32 @!p1 s17, s18  }
0x2a: {  	s16 =	smul.u32 @!p1 $0x4F590, s16;
	s18 =	sshrl.u32 @!p1 s17, $0x3;
	s17 =	sand.u32 @!p1 $0x7, s17  }
0x2b: {  	s19 =	sand.u32 @!p1 $0x1000, s19;
	s18 =	sadd.s32 @!p1 s2, s18;
	s17 =	sshll.u32 @!p1 s17, $0x12  }
0x2c: {  	s16 =	sadd.s32 @!p1 s16, s18;
	s17 =	sor.u32 @!p1 $0x400, s17;
	s18 =	simm.s32 @!p1 $0x13D6400  }
0x2d: {  	[tilespmem:s19], [sflag:$0x1] =	stream.strided.gather @!p1 [hbm4b:s16+s17], $0x1000, s18, s17, $0x38;
	[tilespmem:$0x4100] =	vst v63  }
0x2e: {  	p1 =	seq.s32 s13, $0x0  }
0x2f: {  	p2 =	sge.u32 @!p1 s13, s7  }
0x30: {  	p1 =	por p1, p2  }
.Ltmp2:
0x31: {  	_ = 	snop;
	(pc) =	sbr.rel @p1 .LBB1_5-.Ltmp2, $1  }
0x32: {  	_ =	sdelay $0x3  }
0x33: {  	s16 =	simm.s32 $0x1  }
0x34: {  	_ =	swait.ge [sflag:s4], $0x1000;
	s16 =	simm.s32 @!p0 $0x0  }
0x35: {  	[sflag:s4] =	ssyncset.done $0x0;
	s17 =	sshll.u32 s16, $0xC  }
0x36: {  	[sflag:s4] =	ssyncadd.s32 $0xFFFFF000;
	s18 =	sor.u32 $0x40, s17  }
0x37: {  	s16 =	smul.u32 $0x4200, s16;
	v0 =	vld [tilespmem:s18+$0x30]  }
0x38: {  	v1 =	vld [tilespmem:s18+$0xFFFFFFD0]  }
0x39: {  	s16 =	sshrl.u32 s16, $0x2;
	v5 =	vld [tilespmem:s18+$0xFFFFFFE0]  }
0x3a: {  	v6 =	vld [tilespmem:s18+$0xFFFFFFF0];
	s19 =	sor.u32 $0x2000, s16  }
0x3b: {  	s31 =	sand.u32 $0x1, s13;
	v4 =	vld [tilespmem:s18+$0x0];
	s17 =	sadd.s32 $0x0, s19  }
0x3c: {  	v3 =	vld [tilespmem:s18+$0x10];
	s16 =	smul.u32 $0x4200, s31;
	[tilespmem:s17+$0xE70 ss:$0x21] =	vst.msk $0xffff, v0  }
0x3d: {  	v2 =	vld [tilespmem:s18+$0x20];
	[tilespmem:s17+$0x210 ss:$0x21] =	vst.msk $0xffff, v1  }
0x3e: {  	s16 =	sshrl.u32 s16, $0x2;
	v1 =	vld [tilespmem:s18+$0xFFFFFFC0];
	[tilespmem:s17+$0x420 ss:$0x21] =	vst.msk $0xffff, v5;
	s18 =	sadd.s32 $0x80, s18  }
0x3f: {  	s20 =	simm.s32 $0x4;
	s21 =	simm.s32 $0x8;
	s16 =	sor.u32 $0x2000, s16;
	[tilespmem:s17+$0x630 ss:$0x21] =	vst.msk $0xffff, v6;
	v0 =	vld [tilespmem:s18+$0x30]  }
.LBB1_3:
0x40: {  	p1 =	sne.s32 s21, $0x7C;
	v5 =	vld [tilespmem:s18+$0xFFFFFFD0];
	[tilespmem:s17+$0x840 ss:$0x21] =	vst.msk $0xffff, v4  }
0x41: {  	v6 =	vld [tilespmem:s18+$0xFFFFFFE0];
	[tilespmem:s17+$0xA50 ss:$0x21] =	vst.msk $0xffff, v3  }
0x42: {  	s22 =	sshra.s32 s20, $0x2;
	s20 =	smov.u32 s21;
	v7 =	vld [tilespmem:s18+$0xFFFFFFF0];
	[tilespmem:s17+$0xC60 ss:$0x21] =	vst.msk $0xffff, v2  }
.Ltmp3:
0x43: {  	v4 =	vld [tilespmem:s18+$0x0];
	[tilespmem:s17+$0x0 ss:$0x21] =	vst.msk $0xffff, v1;
	s17 =	sadd.s32 s22, s19;
	(pc) =	sbr.rel @p1 .LBB1_3-.Ltmp3, $4  }
0x44: {  	v3 =	vld [tilespmem:s18+$0x10];
	[tilespmem:s17+$0xE70 ss:$0x21] =	vst.msk $0xffff, v0  }
0x45: {  	[tilespmem:s17+$0x210 ss:$0x21] =	vst.msk $0xffff, v5;
	v2 =	vld [tilespmem:s18+$0x20]  }
0x46: {  	v1 =	vld [tilespmem:s18+$0xFFFFFFC0];
	[tilespmem:s17+$0x420 ss:$0x21] =	vst.msk $0xffff, v6;
	s18 =	sadd.s32 $0x80, s18  }
0x47: {  	s21 =	sadd.s32 $0x4, s21;
	v0 =	vld [tilespmem:s18+$0x30];
	[tilespmem:s17+$0x630 ss:$0x21] =	vst.msk $0xffff, v7  }
0x48: {  	s21 =	sshll.u32 s9, $0x7;
	s22 =	sshll.u32 s10, $0x3;
	s20 =	sshra.s32 s20, $0x2  }
0x49: {  	p1 =	sgt.s32 s9, $0x27ABE0;
	s23 =	sand.u32 $0xFFFFFC00, s21;
	s22 =	sand.u32 $0xFFFFFC00, s22  }
0x4a: {  	v5 =	vld [tilespmem:s18+$0xFFFFFFD0];
	s30 =	sshra.s32 s9, $0x1F;
	s21 =	sand.u32 $0x380, s21;
	s22 =	sadd.s32 s22, s23  }
0x4b: {  	v6 =	vld [tilespmem:s18+$0xFFFFFFE0];
	[tilespmem:s17+$0x840 ss:$0x21] =	vst.msk $0xffff, v4;
	s25 =	sshra.s32 s10, $0x1F;
	s19 =	sadd.s32 s20, s19;
	s29 =	sor.u32 s21, s22  }
0x4c: {  	v60 =	vld [tilespmem:s18+$0xFFFFFFF0];
	[tilespmem:s17+$0xA50 ss:$0x21] =	vst.msk $0xffff, v3;
	s21 =	smov.u32 s9;
	s22 =	sand.u32 s30, s9;
	s30 =	sand.u32 $0x7, s10  }
0x4d: {  	v61 =	vld [tilespmem:s18+$0x0];
	[tilespmem:s17+$0xC60 ss:$0x21] =	vst.msk $0xffff, v2;
	s20 =	sshrl.u32 s29, $0x7;
	s21 =	simm.s32 @!p1 $0x27ABE0;
	p1 =	sgt.s32 s10, $0x60  }
0x4e: {  	v62 =	vld [tilespmem:s18+$0x10];
	[tilespmem:s17+$0x0 ss:$0x21] =	vst.msk $0xffff, v1;
	s29 =	sshrl.u32 s10, $0x3;
	s24 =	ssub.s32 s21, s22;
	s21 =	smov.u32 s10  }
0x4f: {  	v63 =	vld [tilespmem:s18+$0x20];
	[tilespmem:s19+$0xE70 ss:$0x21] =	vst.msk $0xffff, v0;
	s31 =	smulhi.u32 $0x19CF8F9, s20;
	s22 =	sand.u32 s25, s10;
	s21 =	simm.s32 @!p1 $0x60  }
0x50: {  	[tilespmem:s19+$0x210 ss:$0x21] =	vst.msk $0xffff, v5;
	s27 =	sadd.s32 $0xFFD85420, s24;
	s17 =	ssub.s32 $0x27AC60, s24;
	s21 =	ssub.s32 s21, s22  }
0x51: {  	v7 =	vld [tilespmem:s18+$0xFFFFFFC0];
	[tilespmem:s19+$0x420 ss:$0x21] =	vst.msk $0xffff, v6;
	s26 =	sshrl.u32 s31, $0xE;
	p1 =	sgt.s32 s27, $0x7F;
	s28 =	sadd.s32 $0xFFFFFFA0, s21  }
0x52: {  	[tilespmem:s19+$0x630 ss:$0x21] =	vst.msk $0xffff, v60;
	s18 =	smul.u32 $0x27AC60, s26;
	s21 =	ssub.s32 $0x80, s21;
	p2 =	sgt.s32 s28, $0x1F  }
.Ltmp4:
0x53: {  	[tilespmem:s19+$0x840 ss:$0x21] =	vst.msk $0xffff, v61;
	s17 =	simm.s32 @p1 $0x0;
	s21 =	simm.s32 @p2 $0x0;
	(pc) =	sbr.rel .LBB1_5-.Ltmp4, $4  }
0x54: {  	[tilespmem:s19+$0xA50 ss:$0x21] =	vst.msk $0xffff, v62;
	s18 =	ssub.s32 s20, s18;
	s20 =	sand.u32 $0xF, s29;
	s17 =	smul.u32 s21, s17  }
0x55: {  	[tilespmem:s19+$0xC60 ss:$0x21] =	vst.msk $0xffff, v63;
	s18 =	sshll.u32 s18, $0x4;
	s20 =	sadd.s32 s5, s20;
	s21 =	sshll.u32 s30, $0x12  }
0x56: {  	[tilespmem:s19+$0x0 ss:$0x21] =	vst.msk $0xffff, v7;
	s18 =	sadd.s32 s18, s20;
	s31 =	sor.u32 $0x20, s21;
	s17 =	sand.u32 $0x3FFFFFFF, s17  }
0x57: {  	[hbm4b:s18+s31] =	stream.strided.scatter [tilespmem:s16], [sflag:$0x2], s17, s8, s31, $0x10;
	[tilespmem:$0x4100] =	vst v63  }
.LBB1_6:
0x58: {  	_ =	sfence.sel $0x180000  }
0x59: {  	s2 =	simm.s32 $0x1;
	[bflag:$0x0] =	sbarrier.arrive $0xFFFF  }
0x5a: {  	s31 =	simm.s32 $0x2;
	[sflag:s2] =	ssyncpa.u1 $0x1  }
0x5b: {  	[sflag:s31] =	ssyncpa.u1 $0x1  }
0x5c: {  	p0 =	sne.s32 s1, $0x0;
	_ =	strace $0x90000047  }
0x5d: {  	s0 =	sadd.s32 @!p0 $0x100000, s0;
	[bflag:$0x2] =	sbarrier.arrive $0xFFFF  }
0x5e: {  	[sflag:s0] =	ssyncadd.tile.s32 @!p0 $0x1;
	_ =	shalt  }
.Lfunc_end1:
_tile_overlayer_lowered:
.L_overlay_start_2:
0x5f: {  	(tag) =	ssettag $0x2  }
0x60: {  	s0 =	rddreg [dreg:$0x0];
	s2 =	stileid.u32  }
0x61: {  	s1 =	rddreg [dreg:$0x1];
	p0 =	sne.s32 s2, $0x0  }
0x62: {  	s3 =	rddreg [dreg:$0x2];
	[bflag:$0x3] =	sbarrier.arrive $0xFFFF;
	s2 =	simm.s32 @!p0 $0x1C01  }
0x63: {  	[timem:s3], [sflag:s2] =	dma.local @!p0 [hbm:s0], s1  }
0x64: {  	s0 =	simm.s32 @!p0 $0x1  }
0x65: {  	_ =	swait.ge @!p0 [sflag:s0], s1  }
0x66: {  	s1 =	ssub.s32 @!p0 $0x0, s1;
	[sflag:s0] =	ssyncset.done @!p0 $0x0  }
0x67: {  	[sflag:s0] =	ssyncadd.s32 @!p0 s1  }
0x68: {  	[bflag:$0x3] =	sbarrier.arrive $0xFFFF  }
0x69: {  	_ =	shalt  }

// kernel: sparse-core-data-format-call.cloned.1.call-start
scs
called_computation_lowered:
.L_overlay_start_0:
0x0: {  	s2 =	sld [smem:$0x3FD9]  }
0x1: {  	s3 =	sld [smem:$0x3FFE];
	_ =	sdelay $0x1  }
0x2: {  	s1 =	srdreg.scid  }
0x3: {  	s0 =	sand.u32 $0x1, s1  }
0x4: {  	s18 =	sshll.u32 s0, $0xA;
	s2 =	sadd.s32 s3, s2  }
0x5: {  	s2 =	sadd.s32 s2, s18  }
0x6: {  	[smem:$0x3FC6] =	sst s2  }
0x7: {  	_ = 	snop  }
0x8: {  	s2 =	sld [smem:$0x3FD0];
	(tm) =	ssettm $0x1  }
0x9: {  	s19 =	sld [smem:$0x3FFB];
	_ =	sdelay $0x3  }
0xa: {  	_ =	strace s19  }
0xb: {  	s3 =	sld [smem:$0x3FFC];
	_ =	sdelay $0x3  }
0xc: {  	_ =	strace s3  }
0xd: {  	s3 =	sld [smem:$0x3FFD];
	_ =	sdelay $0x3  }
0xe: {  	_ =	strace s3  }
0xf: {  	_ =	strace $0x8FFFFFFF  }
0x10: {  	s20 =	sld [smem:$0x3FDB];
	_ =	sdelay $0x1  }
0x11: {  	s4 =	simm.s32 $_scs_section_size  }
0x12: {  	s5 =	simm.s32 $_size__tile_overlayer_lowered;
	s6 =	simm.s32 $_tile_overlayer_lowered  }
0x13: {  	s23 =	simm.s32 $0x1BFF;
	s22 =	sshll.u32 s6, $0x1;
	s3 =	sadd.s32 s4, s20  }
0x14: {  	s7 =	simm.s32 $0x0;
	s21 =	sshll.u32 s5, $0x1;
	s5 =	sadd.s32 s22, s3  }
0x15: {  	[timem:s7], [sflag:s23] =	dma.local [hbm:s5], s21  }
0x16: {  	_ =	swait.ge [sflag:s23], s21  }
0x17: {  	s4 =	ssub.s32 $0x0, s21;
	[sflag:s23] =	ssyncset.done $0x0  }
0x18: {  	[sflag:s23] =	ssyncadd.s32 s4;
	_ =	sdelay $0x1  }
0x19: {  	s24 =	simm.s32 $0x1B8B  }
0x1a: {  	_ =	swait.ge [sflag:s24], $0x1  }
0x1b: {  	[sflag:s24] =	ssyncset.done $0x0  }
0x1c: {  	s26 =	simm.s32 $0x1B8E;
	s25 =	sld [smem:$0x3FFE];
	[sflag:s24] =	ssyncadd.s32 $0xFFFFFFFF  }
0x1d: {  	s27 =	simm.s32 $execute0_lowered;
	[smem:$0x3FD2] =	sst s26  }
0x1e: {  	s5 =	sshll.u32 s27, $0x1;
	_ =	strace $0x8000004C;
	[dreg:$0x1] =	wrdreg $0xFFFFFFFF  }
0x1f: {  	s28 =	simm.s32 $_size_execute0_lowered;
	s3 =	sadd.s32 s3, s5;
	[dreg:$0x0] =	wrdreg $0x0  }
0x20: {  	s5 =	sshll.u32 s28, $0x1;
	[dreg:$0x2] =	wrdreg s3  }
0x21: {  	[dreg:$0x3] =	wrdreg s5  }
0x22: {  	[dreg:$0x4] =	wrdreg $0xC0  }
0x23: {  	_ =	task [dreg:s7], $0x5FFFF  }
0x24: {  	[dreg:$0x1] =	wrdreg $0xFFFFFFFF  }
0x25: {  	[dreg:$0x0] =	wrdreg $0x60  }
0x26: {  	[dreg:$0x2] =	wrdreg s25  }
0x27: {  	[dreg:$0x3] =	wrdreg s2  }
0x28: {  	[dreg:$0x4] =	wrdreg $0x9  }
0x29: {  	_ =	task.clear_ibuf [dreg:s7], $0x5FFFF;
	_ =	strace $0x9000004C  }
0x2a: {  	s29 =	simm.s32 $0x9;
	_ =	strace $0x8000004E  }
0x2b: {  	_ =	swait.ge [sflag:s29], $0x1  }
0x2c: {  	[sflag:s29] =	ssyncadd.s32 $0xFFFFFFFF  }
0x2d: {  	_ =	strace $0x9000004E  }
0x2e: {  	_ =	sfence  }
0x2f: {  	s30 =	sld [smem:$0x0];
	_ =	sdelay $0x2  }
0x30: {  	s31 =	sshll.u32 s1, $0xD;
	s1 =	sshrl.u32 s1, $0x2  }
0x31: {  	s3 =	sand.u32 $0x4000, s31;
	s1 =	sadd.s32 s1, s30  }
0x32: {  	s0 =	sor.u32 s3, s0;
	s1 =	sshll.u32 s1, $0x11  }
0x33: {  	s0 =	sor.u32 s1, s0  }
0x34: {  	s0 =	sadd.s32 $0x8F2B, s0  }
0x35: {  	[sflag:s0] =	ssyncadd.remote.s32 $0x1  }
0x36: {  	_ =	sfence.sel $0xFFFF  }
0x37: {  	[dreg:$0x0] =	wrdreg $0xFFFFFFFF;
	(pc) =	sbr.abs _section_cstart, $3  }
0x38: {  	[dreg:$0x1] =	wrdreg $0xFFFFFFFF  }
0x39: {  	_ =	task.clear_ibuf [dreg:s7], $0x2FFFF;
	_ =	strace $0x9FFFFFFF  }
0x3a: {  	(tm) =	ssettm $0x7FFFFFFF  }
0x3b: {  	_ =	shalt  }
tec
execute0_lowered:
.L_overlay_start_1:
0x0: {  	(tag) =	ssettag $0x1  }
0x1: {  	s0 =	srdreg.scid  }
0x2: {  	s1 =	sshll.u32 s0, $0x4  }
0x3: {  	s0 =	stileid.u32;
	s1 =	sand.u32 $0x10, s1  }
0x4: {  	s1 =	sor.u32 s0, s1  }
0x5: {  	s6 =	rddreg [dreg:$0x0];
	s4 =	simm.s32 $0x1;
	s2 =	sshll.u32 s1, $0x7  }
0x6: {  	s7 =	simm.s32 $0x2;
	s12 =	simm.s32 $0x0;
	s1 =	ssub.s32 $0x4000, s2  }
0x7: {  	s8 =	simm.s32 $0x20000;
	s13 =	simm.s32 $0x0;
	s3 =	sand.u32 $0xF80, s1  }
0x8: {  	s9 =	simm.s32 $0x0;
	s5 =	sshrl.u32 s1, $0xC;
	p0 =	sne.s32 s3, $0x0  }
.Ltmp0:
0x9: {  	s1 =	rddreg [dreg:$0x2];
	s4 =	simm.s32 @!p0 $0x0;
	(pc) =	sbr.rel .LBB1_1-.Ltmp0, $4  }
0xa: {  	s11 =	simm.s32 $0x0;
	s3 =	rddreg [dreg:$0x1];
	s5 =	sadd.s32 s4, s5  }
0xb: {  	_ =	strace $0x8000004D;
	s4 =	simm.s32 $0x1;
	s5 =	smul.u32 $0x1A, s5  }
0xc: {  	s6 =	sadd.s32 $0x2C00, s6;
	s10 =	smov.u32 s2;
	[sflag:s4] =	ssyncpa.u1 $0x0  }
0xd: {  	p0 =	por $0x0, $0x0;
	[sflag:s7] =	ssyncpa.u1 $0x0;
	s7 =	sor.u32 $0x1, s5  }
.LBB1_4:
0xe: {  	s16 =	sshll.u32 s13, $0x3;
	s17 =	sand.u32 $0x78, s13  }
0xf: {  	s30 =	sand.u32 $0xF800, s13;
	s12 =	sshll.u32 s12, $0x10;
	s16 =	sand.u32 $0x3C00, s16  }
0x10: {  	s31 =	sand.u32 $0x7, s13;
	s16 =	sor.u32 s17, s16;
	s17 =	sadd.s32 s3, s30  }
0x11: {  	s13 =	sshll.u32 s31, $0x12;
	s16 =	sshrl.u32 s16, $0x3;
	s12 =	sadd.s32 s12, s17  }
0x12: {  	[tilespmem:s15+$0x0 ss:$0x81] =	vst.msk $0xffff, v0;
	s13 =	sor.u32 $0x400, s13;
	s12 =	sadd.s32 s16, s12  }
0x13: {  	[hbm4b:s12+s13] =	stream.strided.scatter [tilespmem:s14], [sflag:$0x2], $0x1000, s8, s13, $0x20;
	[tilespmem:$0x4040] =	vst v63  }
.LBB1_5:
0x14: {  	s14 =	sadd.s32 $0x1, s9  }
0x15: {  	s12 =	sadd.s32 $0x1000, s10;
	s16 =	smov.u32 s10;
	p2 =	sgt.s32 s14, $0x19  }
0x16: {  	s16 =	smov.u32 @p2 s12  }
0x17: {  	s14 =	simm.s32 @p2 $0x0;
	p2 =	sgt.s32 s16, $0x3FFF  }
0x18: {  	s16 =	smov.u32 @p2 s2;
	p2 =	sne.s32 s11, s7  }
.Ltmp1:
0x19: {  	p1 =	slt.u32 s11, $0x2;
	(pc) =	sbr.rel @!p2 .LBB1_6-.Ltmp1, $4  }
0x1a: {  	s15 =	simm.s32 @!p1 $0x2  }
0x1b: {  	s13 =	smov.u32 s10;
	p0 =	por !p0, !p0;
	_ =	swait.ge @!p1 [sflag:s15], $0x1000  }
0x1c: {  	s12 =	smov.u32 s9;
	[sflag:s15] =	ssyncset.done @!p1 $0x0;
	s9 =	smov.u32 s14  }
0x1d: {  	s11 =	sadd.s32 $0x1, s11;
	[sflag:s15] =	ssyncadd.s32 @!p1 $0xFFFFF000;
	s10 =	smov.u32 s16  }
.LBB1_1:
0x1e: {  	p1 =	sge.u32 s11, s5  }
0x1f: {  	s31 =	sadd.s32 $0xFFFFFFFF, s11;
	s14 =	sxor.u32 @!p1 $0xFFFFFFFF, s11  }
0x20: {  	s15 =	sshll.u32 @!p1 s10, $0x9;
	s16 =	sshll.u32 @!p1 s9, $0x4;
	s17 =	simm.s32 @!p1 $0x1000  }
0x21: {  	s14 =	sshll.u32 @!p1 s14, $0xC;
	s16 =	sand.u32 @!p1 $0x1F0, s16;
	s15 =	sadd.s32 @!p1 s6, s15  }
0x22: {  	s14 =	sand.u32 @!p1 $0x1000, s14;
	s15 =	sadd.s32 @!p1 s16, s15;
	s16 =	simm.s32 @!p1 $0x20  }
0x23: {  	[tilespmem:s14], [sflag:$0x1] =	stream.strided.gather @!p1 [hbm4b:s15+s16], $0x1000, s17, s16, $0x38;
	[tilespmem:$0x4040] =	vst v63  }
0x24: {  	p1 =	sge.u32 s31, s5  }
.Ltmp2:
0x25: {  	_ = 	snop;
	(pc) =	sbr.rel @p1 .LBB1_5-.Ltmp2, $1  }
0x26: {  	_ =	sdelay $0x3  }
0x27: {  	s14 =	simm.s32 $0x1  }
0x28: {  	_ =	swait.ge [sflag:s4], $0x1000;
	s14 =	simm.s32 @!p0 $0x0  }
0x29: {  	[sflag:s4] =	ssyncset.done $0x0;
	s15 =	sshll.u32 s14, $0xC  }
0x2a: {  	[sflag:s4] =	ssyncadd.s32 $0xFFFFF000;
	s18 =	sor.u32 $0x10, s15  }
0x2b: {  	s14 =	smul.u32 $0x4080, s14;
	v1 =	vld [tilespmem:s18+$0x0]  }
0x2c: {  	s30 =	sand.u32 $0x1, s11;
	v0 =	vld [tilespmem:s18+$0xFFFFFFF0]  }
0x2d: {  	s15 =	smul.u32 $0x4080, s30;
	s14 =	sshrl.u32 s14, $0x2  }
0x2e: {  	s16 =	sor.u32 $0x2000, s14  }
0x2f: {  	s31 =	sshrl.u32 s15, $0x2;
	s15 =	sadd.s32 $0x0, s16  }
0x30: {  	s17 =	simm.s32 $0x4;
	s18 =	sadd.s32 $0x20, s18;
	s14 =	sor.u32 $0x2000, s31;
	[tilespmem:s15+$0x810 ss:$0x81] =	vst.msk $0xffff, v1  }
.LBB1_3:
0x31: {  	v1 =	vld [tilespmem:s18+$0x0];
	p1 =	sne.s32 s17, $0x1FC;
	[tilespmem:s15+$0x0 ss:$0x81] =	vst.msk $0xffff, v0;
	s15 =	smov.u32 s17;
	s17 =	sadd.s32 $0x4, s17  }
.Ltmp3:
0x32: {  	v0 =	vld [tilespmem:s18+$0xFFFFFFF0];
	(pc) =	sbr.rel @p1 .LBB1_3-.Ltmp3, $4  }
0x33: {  	_ = 	snop  }
0x34: {  	s15 =	sshra.s32 s15, $0x2  }
0x35: {  	s15 =	sadd.s32 s15, s16  }
0x36: {  	s18 =	sadd.s32 $0x20, s18;
	[tilespmem:s15+$0x810 ss:$0x81] =	vst.msk $0xffff, v1  }
.Ltmp4:
0x37: {  	_ = 	snop;
	(pc) =	sbr.rel .LBB1_4-.Ltmp4, $1  }
0x38: {  	_ =	sdelay $0x3  }
.LBB1_6:
0x39: {  	_ =	sfence.sel $0x180000  }
0x3a: {  	s2 =	simm.s32 $0x1;
	[bflag:$0x0] =	sbarrier.arrive $0xFFFF  }
0x3b: {  	s31 =	simm.s32 $0x2;
	[sflag:s2] =	ssyncpa.u1 $0x1  }
0x3c: {  	[sflag:s31] =	ssyncpa.u1 $0x1  }
0x3d: {  	p0 =	sne.s32 s0, $0x0;
	_ =	strace $0x9000004D  }
0x3e: {  	s0 =	sadd.s32 @!p0 $0x100000, s1;
	[bflag:$0x2] =	sbarrier.arrive $0xFFFF  }
0x3f: {  	[sflag:s0] =	ssyncadd.tile.s32 @!p0 $0x1;
	_ =	shalt  }
.Lfunc_end1:
_tile_overlayer_lowered:
.L_overlay_start_2:
0x40: {  	(tag) =	ssettag $0x2  }
0x41: {  	s0 =	rddreg [dreg:$0x0];
	s2 =	stileid.u32  }
0x42: {  	s1 =	rddreg [dreg:$0x1];
	p0 =	sne.s32 s2, $0x0  }
0x43: {  	s3 =	rddreg [dreg:$0x2];
	[bflag:$0x3] =	sbarrier.arrive $0xFFFF;
	s2 =	simm.s32 @!p0 $0x1C01  }
0x44: {  	[timem:s3], [sflag:s2] =	dma.local @!p0 [hbm:s0], s1  }
0x45: {  	s0 =	simm.s32 @!p0 $0x1  }
0x46: {  	_ =	swait.ge @!p0 [sflag:s0], s1  }
0x47: {  	s1 =	ssub.s32 @!p0 $0x0, s1;
	[sflag:s0] =	ssyncset.done @!p0 $0x0  }
0x48: {  	[sflag:s0] =	ssyncadd.s32 @!p0 s1  }
0x49: {  	[bflag:$0x3] =	sbarrier.arrive $0xFFFF  }
0x4a: {  	_ =	shalt  }

</sc_bundles>
